<compile_context>
chip_gen: v7x
topology: tpu7x:2x2x1
jax: 0.10.2.dev20260603
libtpu: 0.0.44.dev20260713+nightly
codegen_flags: <defaults>
</compile_context>

<pallas_src>
import functools

import jax
import jax.numpy as jnp
from jax import lax
from jax.experimental import pallas as pl
from jax.experimental.pallas import tpu as pltpu
from jax.experimental.pallas import tpu_sc as plsc

S = 2048
D = 768
E = 64
F = 1536
TM = 64
T_MAX = E + S // TM
P = T_MAX * TM

NC, NS = 2, 16
NW = NC * NS
ROWS_A = P // NW
CHUNK = 48
ROWS_C = S // NW


def _routing_metadata(top_experts):
    e_t = top_experts[:, 0].astype(jnp.int32)
    onehot = (e_t[:, None] == jnp.arange(E, dtype=jnp.int32)[None, :])
    onehot = onehot.astype(jnp.int32)
    cum = jnp.cumsum(onehot, axis=0)
    prior = jnp.sum(cum * onehot, axis=1) - 1
    counts = cum[-1]
    ntiles = (counts + TM - 1) // TM
    tcum = jnp.cumsum(ntiles)
    tcum_excl = tcum - ntiles
    j = jnp.arange(T_MAX, dtype=jnp.int32)
    tile_expert = jnp.minimum(
        jnp.sum((tcum[None, :] <= j[:, None]).astype(jnp.int32), axis=1),
        E - 1,
    )
    pos = TM * jnp.sum(onehot * tcum_excl[None, :], axis=1) + prior
    tile_valid = (j < tcum[-1]).astype(jnp.int32)
    return pos, tile_expert, tile_valid


def _sc_scatter_in(x, pos):
    mesh = plsc.VectorSubcoreMesh(core_axis_name="c", subcore_axis_name="s")

    @functools.partial(
        pl.kernel,
        mesh=mesh,
        out_type=jax.ShapeDtypeStruct((P, D), jnp.float32),
        scratch_types=[
            pltpu.VMEM((ROWS_C,), jnp.int32),
            pltpu.VMEM((ROWS_C, D), jnp.float32),
            pltpu.SemaphoreType.DMA,
        ],
    )
    def ka(x_hbm, pos_hbm, xs_hbm, idx_v, rows_v, sem):
        wid = lax.axis_index("s") * NC + lax.axis_index("c")
        base = wid * ROWS_C
        pltpu.sync_copy(pos_hbm.at[pl.ds(base, ROWS_C)], idx_v)
        pltpu.sync_copy(x_hbm.at[pl.ds(base, ROWS_C)], rows_v)
        pltpu.async_copy(rows_v, xs_hbm.at[idx_v], sem).wait()

    return ka(x, pos)


def _sc_gather_out(ys, pos):
    mesh = plsc.VectorSubcoreMesh(core_axis_name="c", subcore_axis_name="s")

    @functools.partial(
        pl.kernel,
        mesh=mesh,
        out_type=jax.ShapeDtypeStruct((S, D), jnp.float32),
        scratch_types=[
            pltpu.VMEM((ROWS_C,), jnp.int32),
            pltpu.VMEM((ROWS_C, D), jnp.float32),
            pltpu.SemaphoreType.DMA,
        ],
    )
    def kc(ys_hbm, pos_hbm, out_hbm, idx_v, rows_v, sem):
        wid = lax.axis_index("s") * NC + lax.axis_index("c")
        base = wid * ROWS_C
        pltpu.sync_copy(pos_hbm.at[pl.ds(base, ROWS_C)], idx_v)
        pltpu.async_copy(ys_hbm.at[idx_v], rows_v, sem).wait()
        pltpu.sync_copy(rows_v, out_hbm.at[pl.ds(base, ROWS_C)])

    return kc(ys, pos)


def _tc_body(te_ref, tv_ref, xs_ref, g_ref, u_ref, d1_ref, d2_ref, ys_ref):
    j = pl.program_id(0)

    @pl.when(tv_ref[j] != 0)
    def _():
        xt = xs_ref[...]
        gate = lax.dot_general(
            xt, g_ref[0], (((1,), (1,)), ((), ())),
            preferred_element_type=jnp.float32,
        )
        up = lax.dot_general(
            xt, u_ref[0], (((1,), (1,)), ((), ())),
            preferred_element_type=jnp.float32,
        )
        act = gate * jax.nn.sigmoid(gate) * up
        y1 = lax.dot_general(
            act[:, : F // 2], d1_ref[0], (((1,), (1,)), ((), ())),
            preferred_element_type=jnp.float32,
        )
        y2 = lax.dot_general(
            act[:, F // 2 :], d2_ref[0], (((1,), (1,)), ((), ())),
            preferred_element_type=jnp.float32,
        )
        ys_ref[...] = y1 + y2


def _tc_grouped_matmul(xs, gate_up_weights, down_weights, tile_expert,
                       tile_valid, interpret=False):
    grid_spec = pltpu.PrefetchScalarGridSpec(
        num_scalar_prefetch=2,
        grid=(T_MAX,),
        in_specs=[
            pl.BlockSpec((TM, D), lambda j, te, tv: (j, 0)),
            pl.BlockSpec((1, F, D), lambda j, te, tv: (te[j], 0, 0)),
            pl.BlockSpec((1, F, D), lambda j, te, tv: (te[j], 1, 0)),
            pl.BlockSpec((1, D, F // 2), lambda j, te, tv: (te[j], 0, 0)),
            pl.BlockSpec((1, D, F // 2), lambda j, te, tv: (te[j], 0, 1)),
        ],
        out_specs=pl.BlockSpec((TM, D), lambda j, te, tv: (j, 0)),
    )
    return pl.pallas_call(
        _tc_body,
        grid_spec=grid_spec,
        out_shape=jax.ShapeDtypeStruct((P, D), jnp.float32),
        interpret=interpret,
    )(tile_expert, tile_valid, xs, gate_up_weights, gate_up_weights,
      down_weights, down_weights)


def _scale_body(r_ref, w_ref, o_ref):
    o_ref[...] = r_ref[...] * w_ref[...]


def _tc_scale(rows, tw, interpret=False):
    return pl.pallas_call(
        _scale_body,
        out_shape=jax.ShapeDtypeStruct((S, D), jnp.float32),
        interpret=interpret,
    )(rows, tw.reshape(S, 1))


def kernel(x, weights, top_weights, top_experts, gate_up_weights, down_weights):
    del weights
    q_len = x.shape[1]
    xf = x.reshape(S, D)
    tw = top_weights[:, 0].astype(jnp.float32)

    pos, tile_expert, tile_valid = _routing_metadata(top_experts)
    xs = _sc_scatter_in(xf, pos)
    ys = _tc_grouped_matmul(
        xs, gate_up_weights, down_weights, tile_expert, tile_valid
    )
    rows = _sc_gather_out(ys, pos)
    out = _tc_scale(rows, tw)
    return out.reshape(-1, q_len, D)

# --- scband reference (transcript-rebuilt; emitter-appended) ---
"""Pipeline reference for scband-patched-dbrx-experts-29240137351600 (READ-ONLY COPY).

The authoritative reference and input builder live on the scoring server;
editing this copy changes nothing except your own understanding.
"""

import jax, jax.numpy as jnp
import numpy as np

B, S, D, E, F, K = 1, 2048, 768, 64, 1536, 1


def setup_inputs(seed: int = 0) -> dict:
    key = jax.random.key(seed)
    k0, k1, k2, k3, k4, k5 = jax.random.split(key, 6)
    x = jax.random.normal(k0, (B, S, D), dtype=jnp.float32)
    weights = jax.random.uniform(k1, (B * S, E), dtype=jnp.float32)
    top_weights = jax.random.uniform(k2, (B * S, K), dtype=jnp.float32)
    top_experts = jax.random.randint(k3, (B * S, K), 0, E, dtype=jnp.int32)
    gate_up_weights = jax.random.normal(k4, (E, 2 * F, D), dtype=jnp.float32) * 0.02
    down_weights = jax.random.normal(k5, (E, D, F), dtype=jnp.float32) * 0.02
    return {"x": x, "weights": weights, "top_weights": top_weights, "top_experts": top_experts, "gate_up_weights": gate_up_weights, "down_weights": down_weights}


def _silu(v):
    return v * jax.nn.sigmoid(v)


def reference(x, weights, top_weights, top_experts, gate_up_weights, down_weights):
    # PatchedDbrxExperts.forward: flatten (B, S) tokens, fused_moe with SwiGLU experts,
    # renormalize=False, then unflatten back to (B, q_len, d_model).
    q_len = x.shape[1]
    d_model = x.shape[-1]
    xf = x.reshape(-1, d_model)
    num_experts = gate_up_weights.shape[0]
    num_top = top_experts.shape[1]
    out = jnp.zeros_like(xf)
    for e in range(num_experts):
        gu = xf @ gate_up_weights[e].T  # [BS, 2*F]
        gate, up = jnp.split(gu, 2, axis=-1)
        act = _silu(gate) * up
        o = act @ down_weights[e].T  # [BS, D]
        for c in range(num_top):
            w = jnp.where(top_experts[:, c] == e, top_weights[:, c], 0.0)[:, None]
            out = out + o * w
    return out.reshape(-1, q_len, d_model)

if __name__ == "__main__":
    import jax
    _d = setup_inputs()
    print(jax.jit(kernel)(*tuple(_d.values())))

</pallas_src>

<mosaic_0001>
#map = affine_map<(d0, d1) -> (0, 0)>
#map1 = affine_map<(d0, d1) -> (0)>
module attributes {stable_mosaic.version = 14 : i64} {
  func.func @ka(%arg0: i32, %arg1: i32, %arg2: memref<2048x768xf32, #tpu.memory_space<hbm>>, %arg3: memref<2048xi32, #tpu.memory_space<hbm>>, %arg4: memref<6144x768xf32, #tpu.memory_space<hbm>>, %arg5: memref<64xi32, #tpu.memory_space<vmem>>, %arg6: memref<64x768xf32, #tpu.memory_space<vmem>>, %arg7: memref<!tpu.dma_semaphore, #tpu.memory_space<semaphore_mem>>) attributes {dimension_semantics = [#tpu.dimension_semantics<core_parallel>, #tpu.dimension_semantics<subcore_parallel>], iteration_bounds = array<i64: 2, 16>, scalar_prefetch = 0 : i64, scratch_operands = 3 : i64, tpu.core_type = #tpu.core_type<sc_vector_subcore>, window_params = [{transform_indices = #map}, {transform_indices = #map1}, {transform_indices = #map}]} {
    %mul3A = arith.constant 2 : i32
    %mul3A_0 = arith.muli %arg1, %mul3A : i32
    %add3A = arith.addi %mul3A_0, %arg0 : i32
    %mul3A_1 = arith.constant 64 : i32
    %mul3A_2 = arith.muli %add3A, %mul3A_1 : i32
    "tpu.region"() ({
      %run_scoped3A = tpu.sem_alloc : memref<!tpu.dma_semaphore, #tpu.memory_space<semaphore_mem>>
      %dma_start3A_7 = tpu.memref_slice %arg3[%mul3A_2] : memref<2048xi32, #tpu.memory_space<hbm>> -> memref<64xi32, #tpu.memory_space<hbm>>
      %dma_start3A_8 = tpu.memref_slice %arg3[%mul3A_2] : memref<2048xi32, #tpu.memory_space<hbm>> -> memref<64xi32, #tpu.memory_space<hbm>>
      tpu.enqueue_dma source(%dma_start3A_8 : memref<64xi32, #tpu.memory_space<hbm>>) target(%arg5 : memref<64xi32, #tpu.memory_space<vmem>>) target_semaphore(%run_scoped3A : memref<!tpu.dma_semaphore, #tpu.memory_space<semaphore_mem>>)
      %dma_wait3A_9 = tpu.memref_slice %arg3[%mul3A_2] : memref<2048xi32, #tpu.memory_space<hbm>> -> memref<64xi32, #tpu.memory_space<hbm>>
      %dma_wait3A_10 = tpu.memref_slice %arg3[%mul3A_2] : memref<2048xi32, #tpu.memory_space<hbm>> -> memref<64xi32, #tpu.memory_space<hbm>>
      tpu.wait_dma2 semaphore(%run_scoped3A : memref<!tpu.dma_semaphore, #tpu.memory_space<semaphore_mem>>) src(%dma_wait3A_10 : memref<64xi32, #tpu.memory_space<hbm>>) dst(%arg5 : memref<64xi32, #tpu.memory_space<vmem>>)
      tpu.yield
    }) : () -> ()
    "tpu.region"() ({
      %run_scoped3A = tpu.sem_alloc : memref<!tpu.dma_semaphore, #tpu.memory_space<semaphore_mem>>
      %dma_start3A_7 = arith.constant 0 : i32
      %dma_start3A_8 = tpu.memref_slice %arg2[%mul3A_2, %dma_start3A_7] : memref<2048x768xf32, #tpu.memory_space<hbm>> -> memref<64x768xf32, #tpu.memory_space<hbm>>
      %dma_start3A_9 = arith.constant 0 : i32
      %dma_start3A_10 = tpu.memref_slice %arg2[%mul3A_2, %dma_start3A_9] : memref<2048x768xf32, #tpu.memory_space<hbm>> -> memref<64x768xf32, #tpu.memory_space<hbm>>
      tpu.enqueue_dma source(%dma_start3A_10 : memref<64x768xf32, #tpu.memory_space<hbm>>) target(%arg6 : memref<64x768xf32, #tpu.memory_space<vmem>>) target_semaphore(%run_scoped3A : memref<!tpu.dma_semaphore, #tpu.memory_space<semaphore_mem>>)
      %dma_wait3A_11 = arith.constant 0 : i32
      %dma_wait3A_12 = tpu.memref_slice %arg2[%mul3A_2, %dma_wait3A_11] : memref<2048x768xf32, #tpu.memory_space<hbm>> -> memref<64x768xf32, #tpu.memory_space<hbm>>
      %dma_wait3A_13 = arith.constant 0 : i32
      %dma_wait3A_14 = tpu.memref_slice %arg2[%mul3A_2, %dma_wait3A_13] : memref<2048x768xf32, #tpu.memory_space<hbm>> -> memref<64x768xf32, #tpu.memory_space<hbm>>
      tpu.wait_dma2 semaphore(%run_scoped3A : memref<!tpu.dma_semaphore, #tpu.memory_space<semaphore_mem>>) src(%dma_wait3A_14 : memref<64x768xf32, #tpu.memory_space<hbm>>) dst(%arg6 : memref<64x768xf32, #tpu.memory_space<vmem>>)
      tpu.yield
    }) : () -> ()
    %dma_start3A = arith.constant 0 : i32
    %dma_start3A_3 = arith.constant 0 : i32
    %dma_start3A_4 = tpu.memref_slice %arg4[%dma_start3A, %dma_start3A_3] : memref<6144x768xf32, #tpu.memory_space<hbm>> -> memref<6144x768xf32, #tpu.memory_space<hbm>>
    tpu.enqueue_indirect_dma source(%arg6 : memref<64x768xf32, #tpu.memory_space<vmem>>) target(%dma_start3A_4 : memref<6144x768xf32, #tpu.memory_space<hbm>>) offsets(%arg5 : memref<64xi32, #tpu.memory_space<vmem>>) semaphore(%arg7 : memref<!tpu.dma_semaphore, #tpu.memory_space<semaphore_mem>>)
    %dma_wait3A = arith.constant 0 : i32
    %dma_wait3A_5 = arith.constant 0 : i32
    %dma_wait3A_6 = tpu.memref_slice %arg4[%dma_wait3A, %dma_wait3A_5] : memref<6144x768xf32, #tpu.memory_space<hbm>> -> memref<6144x768xf32, #tpu.memory_space<hbm>>
    tpu.wait_indirect_dma semaphore(%arg7 : memref<!tpu.dma_semaphore, #tpu.memory_space<semaphore_mem>>) src(%arg6 : memref<64x768xf32, #tpu.memory_space<vmem>>) dst(%dma_wait3A_6 : memref<6144x768xf32, #tpu.memory_space<hbm>>)
    return
  }
}

#map = affine_map<(d0, d1) -> (0, 0)>
#map1 = affine_map<(d0, d1) -> (0)>
module attributes {stable_mosaic.version = 14 : i64} {
  func.func @kc(%arg0: i32, %arg1: i32, %arg2: memref<6144x768xf32, #tpu.memory_space<hbm>>, %arg3: memref<2048xi32, #tpu.memory_space<hbm>>, %arg4: memref<2048x768xf32, #tpu.memory_space<hbm>>, %arg5: memref<64xi32, #tpu.memory_space<vmem>>, %arg6: memref<64x768xf32, #tpu.memory_space<vmem>>, %arg7: memref<!tpu.dma_semaphore, #tpu.memory_space<semaphore_mem>>) attributes {dimension_semantics = [#tpu.dimension_semantics<core_parallel>, #tpu.dimension_semantics<subcore_parallel>], iteration_bounds = array<i64: 2, 16>, scalar_prefetch = 0 : i64, scratch_operands = 3 : i64, tpu.core_type = #tpu.core_type<sc_vector_subcore>, window_params = [{transform_indices = #map}, {transform_indices = #map1}, {transform_indices = #map}]} {
    %mul3A = arith.constant 2 : i32
    %mul3A_0 = arith.muli %arg1, %mul3A : i32
    %add3A = arith.addi %mul3A_0, %arg0 : i32
    %mul3A_1 = arith.constant 64 : i32
    %mul3A_2 = arith.muli %add3A, %mul3A_1 : i32
    "tpu.region"() ({
      %run_scoped3A = tpu.sem_alloc : memref<!tpu.dma_semaphore, #tpu.memory_space<semaphore_mem>>
      %dma_start3A_7 = tpu.memref_slice %arg3[%mul3A_2] : memref<2048xi32, #tpu.memory_space<hbm>> -> memref<64xi32, #tpu.memory_space<hbm>>
      %dma_start3A_8 = tpu.memref_slice %arg3[%mul3A_2] : memref<2048xi32, #tpu.memory_space<hbm>> -> memref<64xi32, #tpu.memory_space<hbm>>
      tpu.enqueue_dma source(%dma_start3A_8 : memref<64xi32, #tpu.memory_space<hbm>>) target(%arg5 : memref<64xi32, #tpu.memory_space<vmem>>) target_semaphore(%run_scoped3A : memref<!tpu.dma_semaphore, #tpu.memory_space<semaphore_mem>>)
      %dma_wait3A_9 = tpu.memref_slice %arg3[%mul3A_2] : memref<2048xi32, #tpu.memory_space<hbm>> -> memref<64xi32, #tpu.memory_space<hbm>>
      %dma_wait3A_10 = tpu.memref_slice %arg3[%mul3A_2] : memref<2048xi32, #tpu.memory_space<hbm>> -> memref<64xi32, #tpu.memory_space<hbm>>
      tpu.wait_dma2 semaphore(%run_scoped3A : memref<!tpu.dma_semaphore, #tpu.memory_space<semaphore_mem>>) src(%dma_wait3A_10 : memref<64xi32, #tpu.memory_space<hbm>>) dst(%arg5 : memref<64xi32, #tpu.memory_space<vmem>>)
      tpu.yield
    }) : () -> ()
    %dma_start3A = arith.constant 0 : i32
    %dma_start3A_3 = arith.constant 0 : i32
    %dma_start3A_4 = tpu.memref_slice %arg2[%dma_start3A, %dma_start3A_3] : memref<6144x768xf32, #tpu.memory_space<hbm>> -> memref<6144x768xf32, #tpu.memory_space<hbm>>
    tpu.enqueue_indirect_dma source(%dma_start3A_4 : memref<6144x768xf32, #tpu.memory_space<hbm>>) target(%arg6 : memref<64x768xf32, #tpu.memory_space<vmem>>) offsets(%arg5 : memref<64xi32, #tpu.memory_space<vmem>>) semaphore(%arg7 : memref<!tpu.dma_semaphore, #tpu.memory_space<semaphore_mem>>)
    %dma_wait3A = arith.constant 0 : i32
    %dma_wait3A_5 = arith.constant 0 : i32
    %dma_wait3A_6 = tpu.memref_slice %arg2[%dma_wait3A, %dma_wait3A_5] : memref<6144x768xf32, #tpu.memory_space<hbm>> -> memref<6144x768xf32, #tpu.memory_space<hbm>>
    tpu.wait_indirect_dma semaphore(%arg7 : memref<!tpu.dma_semaphore, #tpu.memory_space<semaphore_mem>>) src(%dma_wait3A_6 : memref<6144x768xf32, #tpu.memory_space<hbm>>) dst(%arg6 : memref<64x768xf32, #tpu.memory_space<vmem>>)
    "tpu.region"() ({
      %run_scoped3A = tpu.sem_alloc : memref<!tpu.dma_semaphore, #tpu.memory_space<semaphore_mem>>
      %dma_start3A_7 = arith.constant 0 : i32
      %dma_start3A_8 = tpu.memref_slice %arg4[%mul3A_2, %dma_start3A_7] : memref<2048x768xf32, #tpu.memory_space<hbm>> -> memref<64x768xf32, #tpu.memory_space<hbm>>
      %dma_start3A_9 = arith.constant 0 : i32
      %dma_start3A_10 = tpu.memref_slice %arg4[%mul3A_2, %dma_start3A_9] : memref<2048x768xf32, #tpu.memory_space<hbm>> -> memref<64x768xf32, #tpu.memory_space<hbm>>
      tpu.enqueue_dma source(%arg6 : memref<64x768xf32, #tpu.memory_space<vmem>>) target(%dma_start3A_10 : memref<64x768xf32, #tpu.memory_space<hbm>>) target_semaphore(%run_scoped3A : memref<!tpu.dma_semaphore, #tpu.memory_space<semaphore_mem>>)
      %dma_wait3A_11 = arith.constant 0 : i32
      %dma_wait3A_12 = tpu.memref_slice %arg4[%mul3A_2, %dma_wait3A_11] : memref<2048x768xf32, #tpu.memory_space<hbm>> -> memref<64x768xf32, #tpu.memory_space<hbm>>
      %dma_wait3A_13 = arith.constant 0 : i32
      %dma_wait3A_14 = tpu.memref_slice %arg4[%mul3A_2, %dma_wait3A_13] : memref<2048x768xf32, #tpu.memory_space<hbm>> -> memref<64x768xf32, #tpu.memory_space<hbm>>
      tpu.wait_dma2 semaphore(%run_scoped3A : memref<!tpu.dma_semaphore, #tpu.memory_space<semaphore_mem>>) src(%arg6 : memref<64x768xf32, #tpu.memory_space<vmem>>) dst(%dma_wait3A_14 : memref<64x768xf32, #tpu.memory_space<hbm>>)
      tpu.yield
    }) : () -> ()
    return
  }
}

module attributes {stable_mosaic.version = 14 : i64} {
  func.func @_tc_body(%arg0: i32, %arg1: memref<96xi32, #tpu.memory_space<smem>>, %arg2: memref<96xi32, #tpu.memory_space<smem>>, %arg3: memref<64x768xf32, #tpu.memory_space<vmem>>, %arg4: memref<1x1536x768xf32, #tpu.memory_space<vmem>>, %arg5: memref<1x1536x768xf32, #tpu.memory_space<vmem>>, %arg6: memref<1x768x768xf32, #tpu.memory_space<vmem>>, %arg7: memref<1x768x768xf32, #tpu.memory_space<vmem>>, %arg8: memref<64x768xf32, #tpu.memory_space<vmem>>) attributes {dimension_semantics = [#tpu.dimension_semantics<arbitrary>], iteration_bounds = array<i64: 96>, scalar_prefetch = 2 : i64, scratch_operands = 0 : i64, tpu.core_type = #tpu.core_type<tc>, window_params = [{transform_indices = @transform_0, window_bounds = array<i64: 64, 768>}, {transform_indices = @transform_1, window_bounds = array<i64: 1, 1536, 768>}, {transform_indices = @transform_2, window_bounds = array<i64: 1, 1536, 768>}, {transform_indices = @transform_3, window_bounds = array<i64: 1, 768, 768>}, {transform_indices = @transform_4, window_bounds = array<i64: 1, 768, 768>}, {transform_indices = @transform_5, window_bounds = array<i64: 64, 768>}]} {
    %get3A = arith.index_cast %arg0 : i32 to index
    %get3A_0 = memref.load %arg2[%get3A] : memref<96xi32, #tpu.memory_space<smem>>
    %ne3A = arith.constant 0 : i32
    %ne3A_1 = arith.cmpi ne, %get3A_0, %ne3A : i32
    %convert_element_type3A = arith.extui %ne3A_1 : i1 to i32
    %cond3A = arith.constant 0 : i32
    %cond3A_2 = arith.cmpi ne, %convert_element_type3A, %cond3A : i32
    scf.if %cond3A_2 {
      %get3A_3 = arith.constant 0 : index
      %get3A_4 = arith.constant 0 : index
      %get3A_5 = vector.load %arg3[%get3A_3, %get3A_4] : memref<64x768xf32, #tpu.memory_space<vmem>>, vector<64x768xf32>
      %get3A_6 = arith.constant 0 : index
      %get3A_7 = arith.constant 0 : index
      %get3A_8 = arith.constant 0 : index
      %get3A_9 = vector.load %arg4[%get3A_6, %get3A_7, %get3A_8] : memref<1x1536x768xf32, #tpu.memory_space<vmem>>, vector<1x1536x768xf32>
      %get3A_10 = vector.shape_cast %get3A_9 : vector<1x1536x768xf32> to vector<1536x768xf32>
      %dot_general3A = arith.constant dense<0.000000e+00> : vector<64x1536xf32>
      %dot_general3A_11 = tpu.matmul %get3A_5, %get3A_10, %dot_general3A {dimension_numbers = #tpu.dot_dimension_numbers<[1], [1], [0], [0], [0, 0, 1, 0], [], []>, transpose_lhs_hint = false} : vector<64x768xf32>, vector<1536x768xf32>, vector<64x1536xf32> -> vector<64x1536xf32>
      %get3A_12 = arith.constant 0 : index
      %get3A_13 = arith.constant 0 : index
      %get3A_14 = arith.constant 0 : index
      %get3A_15 = vector.load %arg5[%get3A_12, %get3A_13, %get3A_14] : memref<1x1536x768xf32, #tpu.memory_space<vmem>>, vector<1x1536x768xf32>
      %get3A_16 = vector.shape_cast %get3A_15 : vector<1x1536x768xf32> to vector<1536x768xf32>
      %dot_general3A_17 = arith.constant dense<0.000000e+00> : vector<64x1536xf32>
      %dot_general3A_18 = tpu.matmul %get3A_5, %get3A_16, %dot_general3A_17 {dimension_numbers = #tpu.dot_dimension_numbers<[1], [1], [0], [0], [0, 0, 1, 0], [], []>, transpose_lhs_hint = false} : vector<64x768xf32>, vector<1536x768xf32>, vector<64x1536xf32> -> vector<64x1536xf32>
      %logistic3A = arith.negf %dot_general3A_11 : vector<64x1536xf32>
      %logistic3A_19 = math.exp %logistic3A : vector<64x1536xf32>
      %logistic3A_20 = arith.constant 1.000000e+00 : f32
      %logistic3A_21 = vector.broadcast %logistic3A_20 : f32 to vector<64x1536xf32>
      %logistic3A_22 = arith.addf %logistic3A_21, %logistic3A_19 : vector<64x1536xf32>
      %logistic3A_23 = arith.divf %logistic3A_21, %logistic3A_22 : vector<64x1536xf32>
      %mul3A = arith.mulf %dot_general3A_11, %logistic3A_23 : vector<64x1536xf32>
      %mul3A_24 = arith.mulf %mul3A, %dot_general3A_18 : vector<64x1536xf32>
      %slice3A = vector.extract_strided_slice %mul3A_24 {offsets = [0, 0], sizes = [64, 768], strides = [1, 1]} : vector<64x1536xf32> to vector<64x768xf32>
      %get3A_25 = arith.constant 0 : index
      %get3A_26 = arith.constant 0 : index
      %get3A_27 = arith.constant 0 : index
      %get3A_28 = vector.load %arg6[%get3A_25, %get3A_26, %get3A_27] : memref<1x768x768xf32, #tpu.memory_space<vmem>>, vector<1x768x768xf32>
      %get3A_29 = vector.shape_cast %get3A_28 : vector<1x768x768xf32> to vector<768x768xf32>
      %dot_general3A_30 = arith.constant dense<0.000000e+00> : vector<64x768xf32>
      %dot_general3A_31 = tpu.matmul %slice3A, %get3A_29, %dot_general3A_30 {dimension_numbers = #tpu.dot_dimension_numbers<[1], [1], [0], [0], [0, 0, 1, 0], [], []>, transpose_lhs_hint = false} : vector<64x768xf32>, vector<768x768xf32>, vector<64x768xf32> -> vector<64x768xf32>
      %slice3A_32 = vector.extract_strided_slice %mul3A_24 {offsets = [0, 768], sizes = [64, 768], strides = [1, 1]} : vector<64x1536xf32> to vector<64x768xf32>
      %get3A_33 = arith.constant 0 : index
      %get3A_34 = arith.constant 0 : index
      %get3A_35 = arith.constant 0 : index
      %get3A_36 = vector.load %arg7[%get3A_33, %get3A_34, %get3A_35] : memref<1x768x768xf32, #tpu.memory_space<vmem>>, vector<1x768x768xf32>
      %get3A_37 = vector.shape_cast %get3A_36 : vector<1x768x768xf32> to vector<768x768xf32>
      %dot_general3A_38 = arith.constant dense<0.000000e+00> : vector<64x768xf32>
      %dot_general3A_39 = tpu.matmul %slice3A_32, %get3A_37, %dot_general3A_38 {dimension_numbers = #tpu.dot_dimension_numbers<[1], [1], [0], [0], [0, 0, 1, 0], [], []>, transpose_lhs_hint = false} : vector<64x768xf32>, vector<768x768xf32>, vector<64x768xf32> -> vector<64x768xf32>
      %add3A = arith.addf %dot_general3A_31, %dot_general3A_39 : vector<64x768xf32>
      %swap3A = arith.constant 0 : index
      %swap3A_40 = arith.constant 0 : index
      %swap3A_41 = vector.load %arg8[%swap3A, %swap3A_40] : memref<64x768xf32, #tpu.memory_space<vmem>>, vector<64x768xf32>
      tpu.vector_store %arg8[%swap3A, %swap3A_40], %add3A {strides = array<i32>} : memref<64x768xf32, #tpu.memory_space<vmem>>, vector<64x768xf32>,
    } else {
    }
    return
  }
  func.func @transform_0(%arg0: i32, %arg1: memref<96xi32, #tpu.memory_space<smem>>, %arg2: memref<96xi32, #tpu.memory_space<smem>>) -> (i32, i32) {
    %c0_i32 = arith.constant 0 : i32
    %c0_i32_0 = arith.constant 0 : i32
    return %arg0, %c0_i32 : i32, i32
  }
  func.func @transform_1(%arg0: i32, %arg1: memref<96xi32, #tpu.memory_space<smem>>, %arg2: memref<96xi32, #tpu.memory_space<smem>>) -> (i32, i32, i32) {
    %get3A = arith.index_cast %arg0 : i32 to index
    %get3A_0 = memref.load %arg1[%get3A] : memref<96xi32, #tpu.memory_space<smem>>
    %c0_i32 = arith.constant 0 : i32
    %c0_i32_1 = arith.constant 0 : i32
    %c0_i32_2 = arith.constant 0 : i32
    return %get3A_0, %c0_i32, %c0_i32_1 : i32, i32, i32
  }
  func.func @transform_2(%arg0: i32, %arg1: memref<96xi32, #tpu.memory_space<smem>>, %arg2: memref<96xi32, #tpu.memory_space<smem>>) -> (i32, i32, i32) {
    %get3A = arith.index_cast %arg0 : i32 to index
    %get3A_0 = memref.load %arg1[%get3A] : memref<96xi32, #tpu.memory_space<smem>>
    %c1_i32 = arith.constant 1 : i32
    %c0_i32 = arith.constant 0 : i32
    %c0_i32_1 = arith.constant 0 : i32
    return %get3A_0, %c1_i32, %c0_i32 : i32, i32, i32
  }
  func.func @transform_3(%arg0: i32, %arg1: memref<96xi32, #tpu.memory_space<smem>>, %arg2: memref<96xi32, #tpu.memory_space<smem>>) -> (i32, i32, i32) {
    %get3A = arith.index_cast %arg0 : i32 to index
    %get3A_0 = memref.load %arg1[%get3A] : memref<96xi32, #tpu.memory_space<smem>>
    %c0_i32 = arith.constant 0 : i32
    %c0_i32_1 = arith.constant 0 : i32
    %c0_i32_2 = arith.constant 0 : i32
    return %get3A_0, %c0_i32, %c0_i32_1 : i32, i32, i32
  }
  func.func @transform_4(%arg0: i32, %arg1: memref<96xi32, #tpu.memory_space<smem>>, %arg2: memref<96xi32, #tpu.memory_space<smem>>) -> (i32, i32, i32) {
    %get3A = arith.index_cast %arg0 : i32 to index
    %get3A_0 = memref.load %arg1[%get3A] : memref<96xi32, #tpu.memory_space<smem>>
    %c0_i32 = arith.constant 0 : i32
    %c1_i32 = arith.constant 1 : i32
    %c0_i32_1 = arith.constant 0 : i32
    return %get3A_0, %c0_i32, %c1_i32 : i32, i32, i32
  }
  func.func @transform_5(%arg0: i32, %arg1: memref<96xi32, #tpu.memory_space<smem>>, %arg2: memref<96xi32, #tpu.memory_space<smem>>) -> (i32, i32) {
    %c0_i32 = arith.constant 0 : i32
    %c0_i32_0 = arith.constant 0 : i32
    return %arg0, %c0_i32 : i32, i32
  }
}

module attributes {stable_mosaic.version = 14 : i64} {
  func.func @_scale_body(%arg0: memref<2048x768xf32, #tpu.memory_space<vmem>>, %arg1: memref<2048x1xf32, #tpu.memory_space<vmem>>, %arg2: memref<2048x768xf32, #tpu.memory_space<vmem>>) attributes {dimension_semantics = [], scalar_prefetch = 0 : i64, scratch_operands = 0 : i64, tpu.core_type = #tpu.core_type<tc>} {
    %get3A = arith.constant 0 : index
    %get3A_0 = arith.constant 0 : index
    %get3A_1 = vector.load %arg0[%get3A, %get3A_0] : memref<2048x768xf32, #tpu.memory_space<vmem>>, vector<2048x768xf32>
    %get3A_2 = arith.constant 0 : index
    %get3A_3 = arith.constant 0 : index
    %get3A_4 = vector.load %arg1[%get3A_2, %get3A_3] : memref<2048x1xf32, #tpu.memory_space<vmem>>, vector<2048x1xf32>
    %mul3A = vector.broadcast %get3A_4 : vector<2048x1xf32> to vector<2048x768xf32>
    %mul3A_5 = arith.mulf %get3A_1, %mul3A : vector<2048x768xf32>
    %swap3A = arith.constant 0 : index
    %swap3A_6 = arith.constant 0 : index
    %swap3A_7 = vector.load %arg2[%swap3A, %swap3A_6] : memref<2048x768xf32, #tpu.memory_space<vmem>>, vector<2048x768xf32>
    tpu.vector_store %arg2[%swap3A, %swap3A_6], %mul3A_5 {strides = array<i32>} : memref<2048x768xf32, #tpu.memory_space<vmem>>, vector<2048x768xf32>,
    return
  }
}

</mosaic_0001>

<sc_bundles>
// kernel: kernel.6.cloned.1.call-start
scs
__scs_entry_jumppad:
0x0: {  	(pc) =	sbr.rel $0x88, $3  }
0x1: {  	(tag) =	ssettag $0x0;
	lr =	simm.s32 $0x1  }
0x2: {  	[smem:$0x3F9C] =	sst lr;
	_ =	strace $0xD0000000  }
0x3: {  	_ = 	snop  }
0x4: {  	_ = 	snop  }
0x5: {  	_ = 	snop  }
0x6: {  	_ = 	snop  }
0x7: {  	_ = 	snop  }
__scs_overlays_trampoline_lowered:
0x8: {  	[smem:$0x3FAB] =	sst s0  }
0x9: {  	[smem:$0x3FAC] =	sst s1  }
0xa: {  	[smem:$0x3FAD] =	sst s2  }
0xb: {  	[smem:$0x3FAE] =	sst s3  }
0xc: {  	[smem:$0x3FAF] =	sst s4  }
0xd: {  	[smem:$0x3FB0] =	sst s5  }
0xe: {  	[smem:$0x3FB1] =	sst s6  }
0xf: {  	[smem:$0x3FB2] =	sst s7  }
0x10: {  	[smem:$0x3FB3] =	sst s8  }
0x11: {  	[smem:$0x3FB4] =	sst s9;
	s0 =	simm.s32 @!p0 $0x0  }
0x12: {  	s1 =	sld [smem:$0x3F9A];
	s0 =	simm.s32 @p0 $0x1  }
0x13: {  	[smem:$0x3FB5] =	sst s0;
	s0 =	simm.s32 @!p1 $0x0  }
0x14: {  	s2 =	sld [smem:$0x3F99];
	s0 =	simm.s32 @p1 $0x1  }
0x15: {  	[smem:$0x3FB6] =	sst s0;
	s0 =	simm.s32 @!p2 $0x0  }
0x16: {  	s3 =	sld [smem:$0x3FDB];
	s0 =	simm.s32 @p2 $0x1  }
0x17: {  	s4 =	simm.s32 $0x1BF5;
	[smem:$0x3FB8] =	sst s0  }
0x18: {  	s0 =	sld [smem:$0x3F9B];
	_ =	swait.ge [sflag:s4], $0x0  }
0x19: {  	s7 =	sld [smem:$0x3F9C]  }
0x1a: {  	s8 =	sadd.s32 $0xFFFFE003, lr  }
0x1b: {  	s9 =	sadd.s32 $0xFFFFFEF7, lr;
	s5 =	simm.s32 $0xFFFFFFFF;
	p2 =	slt.u32 s8, $0xFFFFF086  }
0x1c: {  	p1 =	slt.u32 s9, $0xF7A;
	s5 =	simm.s32 @!p2 $0x0  }
0x1d: {  	s5 =	simm.s32 @p1 $0x1;
	p0 =	seq.s32 s7, s2  }
0x1e: {  	s7 =	smul.u32 @!p0 $0xF7A, s2;
	p2 =	seq.s32 @!p0 s5, $0x0  }
0x1f: {  	s9 =	smul.u32 $0xF7A, s1;
	s8 =	simm.s32 @!p0 $0x1BF5;
	p2 =	por !p2, p0  }
0x20: {  	[sflag:s8] =	ssyncset.s32 @!p0 $0xFFFFF086;
	s6 =	sadd.s32 @!p0 s3, s7;
	s7 =	simm.s32 @!p0 $0x108  }
0x21: {  	s3 =	sadd.s32 s3, s9;
	s6 =	sadd.s32 @!p0 $0x88, s6;
	s7 =	simm.s32 @p2 $0x1082  }
0x22: {  	[simem:s7], [sflag:s8] =	dma.local @!p0 [hbm:s6], $0xF7A  }
0x23: {  	s9 =	sor.u32 $0xD0000000, s2;
	s6 =	simm.s32 $0x108;
	_ =	swait.ge @!p0 [sflag:s8], $0x0  }
0x24: {  	s3 =	sadd.s32 $0x88, s3;
	s6 =	simm.s32 @!p1 $0x1082;
	[sflag:s4] =	ssyncset.s32 $0xFFFFF086  }
0x25: {  	[simem:s6], [sflag:s4] =	dma.local [hbm:s3], $0xF7A  }
0x26: {  	[smem:$0x3F9C] =	sst s1;
	(tag) =	ssettag s2;
	_ =	strace s9  }
0x27: {  	s1 =	sld [smem:$0x3FAC]  }
0x28: {  	s2 =	sld [smem:$0x3FAD]  }
0x29: {  	s4 =	sld [smem:$0x3FAF]  }
0x2a: {  	p0 =	seq.s32 s5, $0x0;
	s5 =	sld [smem:$0x3FB0]  }
0x2b: {  	s6 =	sld [smem:$0x3FB1]  }
0x2c: {  	s7 =	sld [smem:$0x3FB2]  }
0x2d: {  	s3 =	simm.s32 $0x108;
	s8 =	sld [smem:$0x3FB3]  }
0x2e: {  	s3 =	simm.s32 @!p0 $0x1082;
	s9 =	sld [smem:$0x3FB4]  }
0x2f: {  	lr =	sadd.s32 s0, s3;
	s0 =	sld [smem:$0x3FAB]  }
0x30: {  	s3 =	sld [smem:$0x3FAE]  }
0x31: {  	[smem:$0x3FB7] =	sst s10  }
0x32: {  	s10 =	sld [smem:$0x3FB5];
	_ =	sdelay $0x3  }
0x33: {  	p0 =	seq.s32 s10, $0x1;
	s10 =	sld [smem:$0x3FB7];
	_ =	sdelay $0x3  }
0x34: {  	[smem:$0x3FB7] =	sst s10  }
0x35: {  	s10 =	sld [smem:$0x3FB6];
	_ =	sdelay $0x3  }
0x36: {  	p1 =	seq.s32 s10, $0x1;
	s10 =	sld [smem:$0x3FB7];
	_ =	sdelay $0x3  }
0x37: {  	[smem:$0x3FB7] =	sst s10  }
0x38: {  	s10 =	sld [smem:$0x3FB8]  }
0x39: {  	_ = 	snop;
	(pc) =	sbr.ind lr, $3  }
0x3a: {  	_ = 	snop  }
0x3b: {  	_ = 	snop  }
0x3c: {  	p2 =	seq.s32 s10, $0x1;
	s10 =	sld [smem:$0x3FB7]  }
0x3d: {  	_ =	shalt  }
0x3e: {  	_ =	shalt  }
0x3f: {  	_ =	shalt  }
0x40: {  	_ =	shalt  }
0x41: {  	_ =	shalt  }
0x42: {  	_ =	shalt  }
0x43: {  	_ =	shalt  }
0x44: {  	_ =	shalt  }
0x45: {  	_ =	shalt  }
0x46: {  	_ =	shalt  }
0x47: {  	_ =	shalt  }
0x48: {  	_ =	shalt  }
0x49: {  	_ =	shalt  }
0x4a: {  	_ =	shalt  }
0x4b: {  	_ =	shalt  }
0x4c: {  	_ =	shalt  }
0x4d: {  	_ =	shalt  }
0x4e: {  	_ =	shalt  }
0x4f: {  	_ =	shalt  }
0x50: {  	_ =	shalt  }
0x51: {  	_ =	shalt  }
0x52: {  	_ =	shalt  }
0x53: {  	_ =	shalt  }
0x54: {  	_ =	shalt  }
0x55: {  	_ =	shalt  }
0x56: {  	_ =	shalt  }
0x57: {  	_ =	shalt  }
0x58: {  	_ =	shalt  }
0x59: {  	_ =	shalt  }
0x5a: {  	_ =	shalt  }
0x5b: {  	_ =	shalt  }
0x5c: {  	_ =	shalt  }
0x5d: {  	_ =	shalt  }
0x5e: {  	_ =	shalt  }
0x5f: {  	_ =	shalt  }
0x60: {  	_ =	shalt  }
0x61: {  	_ =	shalt  }
0x62: {  	_ =	shalt  }
0x63: {  	_ =	shalt  }
0x64: {  	_ =	shalt  }
0x65: {  	_ =	shalt  }
0x66: {  	_ =	shalt  }
0x67: {  	_ =	shalt  }
0x68: {  	_ =	shalt  }
0x69: {  	_ =	shalt  }
0x6a: {  	_ =	shalt  }
0x6b: {  	_ =	shalt  }
0x6c: {  	_ =	shalt  }
0x6d: {  	_ =	shalt  }
0x6e: {  	_ =	shalt  }
0x6f: {  	_ =	shalt  }
0x70: {  	_ =	shalt  }
0x71: {  	_ =	shalt  }
0x72: {  	_ =	shalt  }
0x73: {  	_ =	shalt  }
0x74: {  	_ =	shalt  }
0x75: {  	_ =	shalt  }
0x76: {  	_ =	shalt  }
0x77: {  	_ =	shalt  }
0x78: {  	_ =	shalt  }
0x79: {  	_ =	shalt  }
0x7a: {  	_ =	shalt  }
0x7b: {  	_ =	shalt  }
0x7c: {  	_ =	shalt  }
0x7d: {  	_ =	shalt  }
0x7e: {  	_ =	shalt  }
0x7f: {  	_ =	shalt  }
0x80: {  	_ =	shalt  }
0x81: {  	_ =	shalt  }
0x82: {  	_ =	shalt  }
0x83: {  	_ =	shalt  }
0x84: {  	_ =	shalt  }
0x85: {  	_ =	shalt  }
0x86: {  	_ =	shalt  }
0x87: {  	_ =	shalt  }
.Lfunc_end0:
.L_simem_size_0:
called_computation_lowered:
.L_overlay_start_0:
0x88: {  	s2 =	sld [smem:$0x3FD9]  }
0x89: {  	s3 =	sld [smem:$0x3FFE];
	_ =	sdelay $0x1  }
0x8a: {  	s1 =	srdreg.scid  }
0x8b: {  	s0 =	sand.u32 $0x1, s1  }
0x8c: {  	s17 =	sshll.u32 s0, $0xA;
	s2 =	sadd.s32 s3, s2  }
0x8d: {  	s2 =	sadd.s32 s2, s17  }
0x8e: {  	[smem:$0x3FC3] =	sst s2  }
0x8f: {  	_ = 	snop  }
0x90: {  	s2 =	sld [smem:$0x3FC9];
	(tm) =	ssettm $0x1  }
0x91: {  	s18 =	sld [smem:$0x3FFB];
	_ =	sdelay $0x3  }
0x92: {  	_ =	strace s18  }
0x93: {  	s3 =	sld [smem:$0x3FFC];
	_ =	sdelay $0x3  }
0x94: {  	_ =	strace s3  }
0x95: {  	s3 =	sld [smem:$0x3FFD];
	_ =	sdelay $0x3  }
0x96: {  	_ =	strace s3  }
0x97: {  	_ =	strace $0x8FFFFFFF  }
0x98: {  	s19 =	sld [smem:$0x3FDB];
	_ =	sdelay $0x1  }
0x99: {  	s4 =	simm.s32 $_scs_section_size  }
0x9a: {  	s5 =	simm.s32 $_size__tile_overlayer_lowered;
	s6 =	simm.s32 $_tile_overlayer_lowered  }
0x9b: {  	s22 =	simm.s32 $0x1BFF;
	s21 =	sshll.u32 s6, $0x1;
	s3 =	sadd.s32 s4, s19  }
0x9c: {  	s7 =	simm.s32 $0x0;
	s20 =	sshll.u32 s5, $0x1;
	s5 =	sadd.s32 s21, s3  }
0x9d: {  	[timem:s7], [sflag:s22] =	dma.local [hbm:s5], s20  }
0x9e: {  	_ =	swait.ge [sflag:s22], s20  }
0x9f: {  	s4 =	ssub.s32 $0x0, s20;
	[sflag:s22] =	ssyncset.done $0x0  }
0xa0: {  	[sflag:s22] =	ssyncadd.s32 s4;
	_ =	sdelay $0x1  }
0xa1: {  	s23 =	simm.s32 $0x1B8B  }
0xa2: {  	_ =	swait.ge [sflag:s23], $0x1  }
0xa3: {  	[sflag:s23] =	ssyncset.done $0x0  }
0xa4: {  	s25 =	simm.s32 $0x1B8E;
	s24 =	sld [smem:$0x3FFE];
	[sflag:s23] =	ssyncadd.s32 $0xFFFFFFFF  }
0xa5: {  	s26 =	simm.s32 $execute0_lowered;
	[smem:$0x3FD2] =	sst s25  }
0xa6: {  	s5 =	sshll.u32 s26, $0x1;
	_ =	strace $0x80000046;
	[dreg:$0x1] =	wrdreg $0xFFFFFFFF  }
0xa7: {  	s28 =	simm.s32 $_size_execute0_lowered;
	s3 =	sadd.s32 s3, s5;
	[dreg:$0x0] =	wrdreg $0x0  }
0xa8: {  	s5 =	sshll.u32 s28, $0x1;
	[dreg:$0x2] =	wrdreg s3  }
0xa9: {  	[dreg:$0x3] =	wrdreg s5  }
0xaa: {  	[dreg:$0x4] =	wrdreg $0xC0  }
0xab: {  	_ =	task [dreg:s7], $0x5FFFF  }
0xac: {  	[dreg:$0x1] =	wrdreg $0xFFFFFFFF  }
0xad: {  	[dreg:$0x0] =	wrdreg $0x60  }
0xae: {  	[dreg:$0x2] =	wrdreg s2  }
0xaf: {  	[dreg:$0x3] =	wrdreg s24  }
0xb0: {  	[dreg:$0x4] =	wrdreg $0x9  }
0xb1: {  	_ =	task.clear_ibuf [dreg:s7], $0x5FFFF;
	_ =	strace $0x90000046  }
0xb2: {  	s29 =	simm.s32 $0x9;
	_ =	strace $0x80000048  }
0xb3: {  	_ =	swait.ge [sflag:s29], $0x1  }
0xb4: {  	[sflag:s29] =	ssyncadd.s32 $0xFFFFFFFF  }
0xb5: {  	_ =	strace $0x90000048  }
0xb6: {  	_ =	sfence  }
0xb7: {  	s30 =	sld [smem:$0x0];
	_ =	sdelay $0x2  }
0xb8: {  	s31 =	sshll.u32 s1, $0xD;
	s1 =	sshrl.u32 s1, $0x2  }
0xb9: {  	s3 =	sand.u32 $0x4000, s31;
	s1 =	sadd.s32 s1, s30  }
0xba: {  	s0 =	sor.u32 s3, s0;
	s1 =	sshll.u32 s1, $0x11  }
0xbb: {  	s0 =	sor.u32 s1, s0  }
0xbc: {  	s0 =	sadd.s32 $0x8F2B, s0  }
0xbd: {  	[sflag:s0] =	ssyncadd.remote.s32 $0x1  }
0xbe: {  	_ =	sfence.sel $0xFFFF  }
0xbf: {  	[dreg:$0x0] =	wrdreg $0xFFFFFFFF;
	(pc) =	sbr.abs _section_cstart, $3  }
0xc0: {  	[dreg:$0x1] =	wrdreg $0xFFFFFFFF  }
0xc1: {  	_ =	task.clear_ibuf [dreg:s7], $0x2FFFF;
	_ =	strace $0x9FFFFFFF  }
0xc2: {  	(tm) =	ssettm $0x7FFFFFFF  }
0xc3: {  	_ =	shalt  }
tec
execute0_lowered:
.L_overlay_start_1:
0x0: {  	(tag) =	ssettag $0x1  }
0x1: {  	s1 =	srdreg.scid;
	s3 =	rddreg [dreg:$0x0]  }
0x2: {  	s0 =	stileid.u32;
	s5 =	rddreg [dreg:$0x1];
	s2 =	simm.s32 $0x0  }
0x3: {  	s8 =	simm.s32 $0x80;
	s26 =	simm.s32 $0x880;
	s9 =	simm.s32 $0x1080  }
0x4: {  	s10 =	simm.s32 $0x1880;
	s11 =	simm.s32 $0x2080;
	s12 =	simm.s32 $0x2880  }
0x5: {  	s13 =	simm.s32 $0x3080;
	s14 =	simm.s32 $0x3880;
	s15 =	simm.s32 $0x4080  }
0x6: {  	s16 =	simm.s32 $0x4880;
	s17 =	simm.s32 $0x5080;
	s18 =	simm.s32 $0x5880  }
0x7: {  	s19 =	simm.s32 $0x6080;
	s20 =	simm.s32 $0x6880;
	s21 =	simm.s32 $0x7080  }
0x8: {  	s22 =	simm.s32 $0x7880;
	s23 =	simm.s32 $0x8080;
	s24 =	simm.s32 $0x8880  }
0x9: {  	s28 =	simm.s32 $0xA080;
	s29 =	simm.s32 $0xA880;
	s30 =	simm.s32 $0xB080  }
0xa: {  	s31 =	simm.s32 $0xB880;
	s1 =	sand.u32 $0x1, s1;
	[smem:$0x7FF] =	sst s2  }
0xb: {  	s4 =	sshll.u32 s0, $0x4;
	s6 =	sshll.u32 s1, $0x3;
	_ =	strace $0x80000047  }
0xc: {  	s1 =	ssub.s32 $0x2, s1;
	[dreg:$0x5] =	wrdreg s26;
	s4 =	sor.u32 s6, s4  }
0xd: {  	s26 =	simm.s32 $0x9880;
	s7 =	sshrl.u32 s1, $0x1;
	s6 =	smul.u32 $0x300, s4  }
0xe: {  	s4 =	sadd.s32 s5, s4;
	s1 =	ssub.s32 s1, s7;
	s7 =	simm.s32 $0x2  }
0xf: {  	v2 =	vlaneseq.u32;
	[dreg:$0x3] =	wrdreg s4;
	s4 =	sadd.s32 $0x300, s5;
	s25 =	sadd.s32 s3, s6  }
0x10: {  	vm0 =	vmmov $0xffff;
	v1 =	vshrl.u32 v2, $0x3;
	s3 =	sadd.s32 $0x200, s5;
	s5 =	sadd.s32 $0x400, s5;
	s6 =	smax.u32 s1, $0x1  }
0x11: {  	v0 =	vand.u32 $0x7, v2;
	v2 =	vor.u32 $0x8, v2;
	v1 =	vmul.u32 $0x8, v1;
	s1 =	simm.s32 $0x1;
	[dreg:$0x4] =	wrdreg s25;
	s25 =	simm.s32 $0x9080  }
.LBB2_1:
0x12: {  	s0 =	rddreg [dreg:$0x3]  }
0x13: {  	[tilespmem:s2], [sflag:$0x2] =	stream.linear.gather [hbm4b:s0+s2], $0x40, $0x38;
	[tilespmem:$0xC080] =	vst v63  }
0x14: {  	_ =	swait.ge [sflag:s7], $0x40  }
0x15: {  	[sflag:s7] =	ssyncset.done $0x0  }
0x16: {  	s0 =	rddreg [dreg:$0x4];
	[sflag:s7] =	ssyncadd.s32 $0xFFFFFFC0  }
0x17: {  	[tilespmem:s8], [sflag:$0x2] =	stream.linear.gather [hbm4b:s0+s2], $0xC000, $0x38;
	[tilespmem:$0xC080] =	vst v63  }
0x18: {  	_ =	swait.ge [sflag:s7], $0xC000  }
0x19: {  	[sflag:s7] =	ssyncset.done $0x0  }
0x1a: {  	[sflag:s7] =	ssyncadd.s32 $0xFFFF4000  }
0x1b: {  	v3 =	vld [tilespmem:$0x0];
	_ =	sdelay $0x4  }
0x1c: {  	v4 =	vshrl.u32 v3, $0x3  }
0x1d: {  	v4 =	vmul.u32 $0x30, v4  }
0x1e: {  	v3 =	vand.u32 $0x7, v3  }
0x1f: {  	v3 =	vor.u32 v3, v4  }
0x20: {  	v4 =	vperm.xlane v3, v0;
	_ =	sdelay $0x1  }
0x21: {  	v4 =	vadd.s32 v1, v4;
	_ =	sdelay $0x3  }
0x22: {  	v3 =	vperm.xlane v3, v2  }
0x23: {  	[hbm4b:s3+s2] =	stream.indirect_vreg.scatter [tilespmem:s8], [sflag:$0x1], $0x80, v4, vm0, $0xb8;
	[tilespmem:$0xC080] =	vst v63  }
0x24: {  	s0 =	rddreg [dreg:$0x5];
	v3 =	vadd.s32 v1, v3  }
0x25: {  	[hbm4b:s4+s2] =	stream.indirect_vreg.scatter [tilespmem:s0], [sflag:$0x1], $0x80, v4, vm0, $0xb8;
	[tilespmem:$0xC080] =	vst v63  }
0x26: {  	_ = 	snop  }
0x27: {  	[hbm4b:s5+s2] =	stream.indirect_vreg.scatter [tilespmem:s9], [sflag:$0x1], $0x80, v4, vm0, $0xb8;
	[tilespmem:$0xC080] =	vst v63  }
0x28: {  	_ = 	snop  }
0x29: {  	[hbm4b:s3+s2] =	stream.indirect_vreg.scatter [tilespmem:s10], [sflag:$0x1], $0x80, v3, vm0, $0xb8;
	[tilespmem:$0xC080] =	vst v63  }
0x2a: {  	_ = 	snop  }
0x2b: {  	[hbm4b:s4+s2] =	stream.indirect_vreg.scatter [tilespmem:s11], [sflag:$0x1], $0x80, v3, vm0, $0xb8;
	[tilespmem:$0xC080] =	vst v63  }
0x2c: {  	_ = 	snop  }
0x2d: {  	[hbm4b:s5+s2] =	stream.indirect_vreg.scatter [tilespmem:s12], [sflag:$0x1], $0x80, v3, vm0, $0xb8;
	[tilespmem:$0xC080] =	vst v63  }
0x2e: {  	v3 =	vld [tilespmem:$0x10];
	_ =	sdelay $0x4  }
0x2f: {  	v61 =	vshrl.u32 v3, $0x3  }
0x30: {  	v4 =	vmul.u32 $0x30, v61  }
0x31: {  	v3 =	vand.u32 $0x7, v3  }
0x32: {  	v3 =	vor.u32 v3, v4  }
0x33: {  	v4 =	vperm.xlane v3, v0;
	_ =	sdelay $0x1  }
0x34: {  	v4 =	vadd.s32 v1, v4;
	_ =	sdelay $0x3  }
0x35: {  	v3 =	vperm.xlane v3, v2  }
0x36: {  	[hbm4b:s3+s2] =	stream.indirect_vreg.scatter [tilespmem:s13], [sflag:$0x1], $0x80, v4, vm0, $0xb8;
	[tilespmem:$0xC080] =	vst v63  }
0x37: {  	v3 =	vadd.s32 v1, v3  }
0x38: {  	[hbm4b:s4+s2] =	stream.indirect_vreg.scatter [tilespmem:s14], [sflag:$0x1], $0x80, v4, vm0, $0xb8;
	[tilespmem:$0xC080] =	vst v63  }
0x39: {  	_ = 	snop  }
0x3a: {  	[hbm4b:s5+s2] =	stream.indirect_vreg.scatter [tilespmem:s15], [sflag:$0x1], $0x80, v4, vm0, $0xb8;
	[tilespmem:$0xC080] =	vst v63  }
0x3b: {  	_ = 	snop  }
0x3c: {  	[hbm4b:s3+s2] =	stream.indirect_vreg.scatter [tilespmem:s16], [sflag:$0x1], $0x80, v3, vm0, $0xb8;
	[tilespmem:$0xC080] =	vst v63  }
0x3d: {  	_ = 	snop  }
0x3e: {  	[hbm4b:s4+s2] =	stream.indirect_vreg.scatter [tilespmem:s17], [sflag:$0x1], $0x80, v3, vm0, $0xb8;
	[tilespmem:$0xC080] =	vst v63  }
0x3f: {  	_ = 	snop  }
0x40: {  	[hbm4b:s5+s2] =	stream.indirect_vreg.scatter [tilespmem:s18], [sflag:$0x1], $0x80, v3, vm0, $0xb8;
	[tilespmem:$0xC080] =	vst v63  }
0x41: {  	v3 =	vld [tilespmem:$0x20];
	_ =	sdelay $0x4  }
0x42: {  	v62 =	vshrl.u32 v3, $0x3  }
0x43: {  	v4 =	vmul.u32 $0x30, v62  }
0x44: {  	v3 =	vand.u32 $0x7, v3  }
0x45: {  	v3 =	vor.u32 v3, v4  }
0x46: {  	v4 =	vperm.xlane v3, v0;
	_ =	sdelay $0x1  }
0x47: {  	v4 =	vadd.s32 v1, v4;
	_ =	sdelay $0x3  }
0x48: {  	v3 =	vperm.xlane v3, v2  }
0x49: {  	[hbm4b:s3+s2] =	stream.indirect_vreg.scatter [tilespmem:s19], [sflag:$0x1], $0x80, v4, vm0, $0xb8;
	[tilespmem:$0xC080] =	vst v63  }
0x4a: {  	v3 =	vadd.s32 v1, v3  }
0x4b: {  	[hbm4b:s4+s2] =	stream.indirect_vreg.scatter [tilespmem:s20], [sflag:$0x1], $0x80, v4, vm0, $0xb8;
	[tilespmem:$0xC080] =	vst v63  }
0x4c: {  	_ = 	snop  }
0x4d: {  	[hbm4b:s5+s2] =	stream.indirect_vreg.scatter [tilespmem:s21], [sflag:$0x1], $0x80, v4, vm0, $0xb8;
	[tilespmem:$0xC080] =	vst v63  }
0x4e: {  	_ = 	snop  }
0x4f: {  	[hbm4b:s3+s2] =	stream.indirect_vreg.scatter [tilespmem:s22], [sflag:$0x1], $0x80, v3, vm0, $0xb8;
	[tilespmem:$0xC080] =	vst v63  }
0x50: {  	_ = 	snop  }
0x51: {  	[hbm4b:s4+s2] =	stream.indirect_vreg.scatter [tilespmem:s23], [sflag:$0x1], $0x80, v3, vm0, $0xb8;
	[tilespmem:$0xC080] =	vst v63  }
0x52: {  	_ = 	snop  }
0x53: {  	[hbm4b:s5+s2] =	stream.indirect_vreg.scatter [tilespmem:s24], [sflag:$0x1], $0x80, v3, vm0, $0xb8;
	[tilespmem:$0xC080] =	vst v63  }
0x54: {  	v3 =	vld [tilespmem:$0x30];
	_ =	sdelay $0x4  }
0x55: {  	v63 =	vshrl.u32 v3, $0x3  }
0x56: {  	v4 =	vmul.u32 $0x30, v63  }
0x57: {  	v3 =	vand.u32 $0x7, v3  }
0x58: {  	v3 =	vor.u32 v3, v4  }
0x59: {  	v4 =	vperm.xlane v3, v0;
	_ =	sdelay $0x1  }
0x5a: {  	v4 =	vadd.s32 v1, v4;
	_ =	sdelay $0x3  }
0x5b: {  	v3 =	vperm.xlane v3, v2  }
0x5c: {  	[hbm4b:s3+s2] =	stream.indirect_vreg.scatter [tilespmem:s25], [sflag:$0x1], $0x80, v4, vm0, $0xb8;
	[tilespmem:$0xC080] =	vst v63  }
0x5d: {  	v3 =	vadd.s32 v1, v3  }
0x5e: {  	[hbm4b:s4+s2] =	stream.indirect_vreg.scatter [tilespmem:s26], [sflag:$0x1], $0x80, v4, vm0, $0xb8;
	[tilespmem:$0xC080] =	vst v63  }
0x5f: {  	_ = 	snop  }
0x60: {  	[hbm4b:s5+s2] =	stream.indirect_vreg.scatter [tilespmem:s28], [sflag:$0x1], $0x80, v4, vm0, $0xb8;
	[tilespmem:$0xC080] =	vst v63  }
0x61: {  	_ = 	snop  }
0x62: {  	[hbm4b:s3+s2] =	stream.indirect_vreg.scatter [tilespmem:s29], [sflag:$0x1], $0x80, v3, vm0, $0xb8;
	[tilespmem:$0xC080] =	vst v63  }
0x63: {  	p0 =	sne.s32 s6, $0x1  }
0x64: {  	[hbm4b:s4+s2] =	stream.indirect_vreg.scatter [tilespmem:s30], [sflag:$0x1], $0x80, v3, vm0, $0xb8;
	[tilespmem:$0xC080] =	vst v63  }
.Ltmp0:
0x65: {  	_ = 	snop;
	(pc) =	sbr.rel @p0 .LBB2_1-.Ltmp0, $4  }
0x66: {  	[hbm4b:s5+s2] =	stream.indirect_vreg.scatter [tilespmem:s31], [sflag:$0x1], $0x80, v3, vm0, $0xb8;
	[tilespmem:$0xC080] =	vst v63  }
0x67: {  	_ =	swait.ge [sflag:s1], $0xC000  }
0x68: {  	[sflag:s1] =	ssyncset.done $0x0  }
0x69: {  	s6 =	sadd.s32 $0xFFFFFFFF, s6;
	[sflag:s1] =	ssyncadd.s32 $0xFFFF4000  }
0x6a: {  	_ =	sfence.sel $0x180000  }
0x6b: {  	[bflag:$0x0] =	sbarrier.arrive $0xFFFF  }
0x6c: {  	_ =	strace $0x90000047  }
0x6d: {  	s0 =	stileid.u32;
	[bflag:$0x2] =	sbarrier.arrive $0xFFFF  }
0x6e: {  	p0 =	sne.s32 s0, $0x0;
	s0 =	rddreg [dreg:$0x2]  }
0x6f: {  	s0 =	sadd.s32 @!p0 $0x100000, s0  }
0x70: {  	[sflag:s0] =	ssyncadd.tile.s32 @!p0 $0x1;
	_ =	shalt  }
.Lfunc_end2:
_tile_overlayer_lowered:
.L_overlay_start_2:
0x71: {  	(tag) =	ssettag $0x2  }
0x72: {  	s0 =	rddreg [dreg:$0x0];
	s2 =	stileid.u32  }
0x73: {  	s1 =	rddreg [dreg:$0x1];
	p0 =	sne.s32 s2, $0x0  }
0x74: {  	s3 =	rddreg [dreg:$0x2];
	[bflag:$0x3] =	sbarrier.arrive $0xFFFF;
	s2 =	simm.s32 @!p0 $0x1C02  }
0x75: {  	[timem:s3], [sflag:s2] =	dma.local @!p0 [hbm:s0], s1  }
0x76: {  	s0 =	simm.s32 @!p0 $0x2  }
0x77: {  	_ =	swait.ge @!p0 [sflag:s0], s1  }
0x78: {  	s1 =	ssub.s32 @!p0 $0x0, s1;
	[sflag:s0] =	ssyncset.done @!p0 $0x0  }
0x79: {  	[sflag:s0] =	ssyncadd.s32 @!p0 s1  }
0x7a: {  	[bflag:$0x3] =	sbarrier.arrive $0xFFFF  }
0x7b: {  	_ =	shalt  }

// kernel: kernel.9.cloned.1.call-start
scs
__scs_entry_jumppad:
0x0: {  	(pc) =	sbr.rel $0x88, $3  }
0x1: {  	(tag) =	ssettag $0x0;
	lr =	simm.s32 $0x1  }
0x2: {  	[smem:$0x3F9C] =	sst lr;
	_ =	strace $0xD0000000  }
0x3: {  	_ = 	snop  }
0x4: {  	_ = 	snop  }
0x5: {  	_ = 	snop  }
0x6: {  	_ = 	snop  }
0x7: {  	_ = 	snop  }
__scs_overlays_trampoline_lowered:
0x8: {  	[smem:$0x3FAB] =	sst s0  }
0x9: {  	[smem:$0x3FAC] =	sst s1  }
0xa: {  	[smem:$0x3FAD] =	sst s2  }
0xb: {  	[smem:$0x3FAE] =	sst s3  }
0xc: {  	[smem:$0x3FAF] =	sst s4  }
0xd: {  	[smem:$0x3FB0] =	sst s5  }
0xe: {  	[smem:$0x3FB1] =	sst s6  }
0xf: {  	[smem:$0x3FB2] =	sst s7  }
0x10: {  	[smem:$0x3FB3] =	sst s8  }
0x11: {  	[smem:$0x3FB4] =	sst s9;
	s0 =	simm.s32 @!p0 $0x0  }
0x12: {  	s1 =	sld [smem:$0x3F9A];
	s0 =	simm.s32 @p0 $0x1  }
0x13: {  	[smem:$0x3FB5] =	sst s0;
	s0 =	simm.s32 @!p1 $0x0  }
0x14: {  	s2 =	sld [smem:$0x3F99];
	s0 =	simm.s32 @p1 $0x1  }
0x15: {  	[smem:$0x3FB6] =	sst s0;
	s0 =	simm.s32 @!p2 $0x0  }
0x16: {  	s3 =	sld [smem:$0x3FDB];
	s0 =	simm.s32 @p2 $0x1  }
0x17: {  	s4 =	simm.s32 $0x1BF5;
	[smem:$0x3FB8] =	sst s0  }
0x18: {  	s0 =	sld [smem:$0x3F9B];
	_ =	swait.ge [sflag:s4], $0x0  }
0x19: {  	s7 =	sld [smem:$0x3F9C]  }
0x1a: {  	s8 =	sadd.s32 $0xFFFFE003, lr  }
0x1b: {  	s9 =	sadd.s32 $0xFFFFFEF7, lr;
	s5 =	simm.s32 $0xFFFFFFFF;
	p2 =	slt.u32 s8, $0xFFFFF086  }
0x1c: {  	p1 =	slt.u32 s9, $0xF7A;
	s5 =	simm.s32 @!p2 $0x0  }
0x1d: {  	s5 =	simm.s32 @p1 $0x1;
	p0 =	seq.s32 s7, s2  }
0x1e: {  	s7 =	smul.u32 @!p0 $0xF7A, s2;
	p2 =	seq.s32 @!p0 s5, $0x0  }
0x1f: {  	s9 =	smul.u32 $0xF7A, s1;
	s8 =	simm.s32 @!p0 $0x1BF5;
	p2 =	por !p2, p0  }
0x20: {  	[sflag:s8] =	ssyncset.s32 @!p0 $0xFFFFF086;
	s6 =	sadd.s32 @!p0 s3, s7;
	s7 =	simm.s32 @!p0 $0x108  }
0x21: {  	s3 =	sadd.s32 s3, s9;
	s6 =	sadd.s32 @!p0 $0x88, s6;
	s7 =	simm.s32 @p2 $0x1082  }
0x22: {  	[simem:s7], [sflag:s8] =	dma.local @!p0 [hbm:s6], $0xF7A  }
0x23: {  	s9 =	sor.u32 $0xD0000000, s2;
	s6 =	simm.s32 $0x108;
	_ =	swait.ge @!p0 [sflag:s8], $0x0  }
0x24: {  	s3 =	sadd.s32 $0x88, s3;
	s6 =	simm.s32 @!p1 $0x1082;
	[sflag:s4] =	ssyncset.s32 $0xFFFFF086  }
0x25: {  	[simem:s6], [sflag:s4] =	dma.local [hbm:s3], $0xF7A  }
0x26: {  	[smem:$0x3F9C] =	sst s1;
	(tag) =	ssettag s2;
	_ =	strace s9  }
0x27: {  	s1 =	sld [smem:$0x3FAC]  }
0x28: {  	s2 =	sld [smem:$0x3FAD]  }
0x29: {  	s4 =	sld [smem:$0x3FAF]  }
0x2a: {  	p0 =	seq.s32 s5, $0x0;
	s5 =	sld [smem:$0x3FB0]  }
0x2b: {  	s6 =	sld [smem:$0x3FB1]  }
0x2c: {  	s7 =	sld [smem:$0x3FB2]  }
0x2d: {  	s3 =	simm.s32 $0x108;
	s8 =	sld [smem:$0x3FB3]  }
0x2e: {  	s3 =	simm.s32 @!p0 $0x1082;
	s9 =	sld [smem:$0x3FB4]  }
0x2f: {  	lr =	sadd.s32 s0, s3;
	s0 =	sld [smem:$0x3FAB]  }
0x30: {  	s3 =	sld [smem:$0x3FAE]  }
0x31: {  	[smem:$0x3FB7] =	sst s10  }
0x32: {  	s10 =	sld [smem:$0x3FB5];
	_ =	sdelay $0x3  }
0x33: {  	p0 =	seq.s32 s10, $0x1;
	s10 =	sld [smem:$0x3FB7];
	_ =	sdelay $0x3  }
0x34: {  	[smem:$0x3FB7] =	sst s10  }
0x35: {  	s10 =	sld [smem:$0x3FB6];
	_ =	sdelay $0x3  }
0x36: {  	p1 =	seq.s32 s10, $0x1;
	s10 =	sld [smem:$0x3FB7];
	_ =	sdelay $0x3  }
0x37: {  	[smem:$0x3FB7] =	sst s10  }
0x38: {  	s10 =	sld [smem:$0x3FB8]  }
0x39: {  	_ = 	snop;
	(pc) =	sbr.ind lr, $3  }
0x3a: {  	_ = 	snop  }
0x3b: {  	_ = 	snop  }
0x3c: {  	p2 =	seq.s32 s10, $0x1;
	s10 =	sld [smem:$0x3FB7]  }
0x3d: {  	_ =	shalt  }
0x3e: {  	_ =	shalt  }
0x3f: {  	_ =	shalt  }
0x40: {  	_ =	shalt  }
0x41: {  	_ =	shalt  }
0x42: {  	_ =	shalt  }
0x43: {  	_ =	shalt  }
0x44: {  	_ =	shalt  }
0x45: {  	_ =	shalt  }
0x46: {  	_ =	shalt  }
0x47: {  	_ =	shalt  }
0x48: {  	_ =	shalt  }
0x49: {  	_ =	shalt  }
0x4a: {  	_ =	shalt  }
0x4b: {  	_ =	shalt  }
0x4c: {  	_ =	shalt  }
0x4d: {  	_ =	shalt  }
0x4e: {  	_ =	shalt  }
0x4f: {  	_ =	shalt  }
0x50: {  	_ =	shalt  }
0x51: {  	_ =	shalt  }
0x52: {  	_ =	shalt  }
0x53: {  	_ =	shalt  }
0x54: {  	_ =	shalt  }
0x55: {  	_ =	shalt  }
0x56: {  	_ =	shalt  }
0x57: {  	_ =	shalt  }
0x58: {  	_ =	shalt  }
0x59: {  	_ =	shalt  }
0x5a: {  	_ =	shalt  }
0x5b: {  	_ =	shalt  }
0x5c: {  	_ =	shalt  }
0x5d: {  	_ =	shalt  }
0x5e: {  	_ =	shalt  }
0x5f: {  	_ =	shalt  }
0x60: {  	_ =	shalt  }
0x61: {  	_ =	shalt  }
0x62: {  	_ =	shalt  }
0x63: {  	_ =	shalt  }
0x64: {  	_ =	shalt  }
0x65: {  	_ =	shalt  }
0x66: {  	_ =	shalt  }
0x67: {  	_ =	shalt  }
0x68: {  	_ =	shalt  }
0x69: {  	_ =	shalt  }
0x6a: {  	_ =	shalt  }
0x6b: {  	_ =	shalt  }
0x6c: {  	_ =	shalt  }
0x6d: {  	_ =	shalt  }
0x6e: {  	_ =	shalt  }
0x6f: {  	_ =	shalt  }
0x70: {  	_ =	shalt  }
0x71: {  	_ =	shalt  }
0x72: {  	_ =	shalt  }
0x73: {  	_ =	shalt  }
0x74: {  	_ =	shalt  }
0x75: {  	_ =	shalt  }
0x76: {  	_ =	shalt  }
0x77: {  	_ =	shalt  }
0x78: {  	_ =	shalt  }
0x79: {  	_ =	shalt  }
0x7a: {  	_ =	shalt  }
0x7b: {  	_ =	shalt  }
0x7c: {  	_ =	shalt  }
0x7d: {  	_ =	shalt  }
0x7e: {  	_ =	shalt  }
0x7f: {  	_ =	shalt  }
0x80: {  	_ =	shalt  }
0x81: {  	_ =	shalt  }
0x82: {  	_ =	shalt  }
0x83: {  	_ =	shalt  }
0x84: {  	_ =	shalt  }
0x85: {  	_ =	shalt  }
0x86: {  	_ =	shalt  }
0x87: {  	_ =	shalt  }
.Lfunc_end0:
.L_simem_size_0:
called_computation.1_lowered:
.L_overlay_start_0:
0x88: {  	s2 =	sld [smem:$0x3FD9]  }
0x89: {  	s3 =	sld [smem:$0x3FFE];
	_ =	sdelay $0x1  }
0x8a: {  	s1 =	srdreg.scid  }
0x8b: {  	s0 =	sand.u32 $0x1, s1  }
0x8c: {  	s17 =	sshll.u32 s0, $0xA;
	s2 =	sadd.s32 s3, s2  }
0x8d: {  	s2 =	sadd.s32 s2, s17  }
0x8e: {  	[smem:$0x3FC3] =	sst s2  }
0x8f: {  	_ = 	snop  }
0x90: {  	s2 =	sld [smem:$0x3FD0];
	(tm) =	ssettm $0x1  }
0x91: {  	s18 =	sld [smem:$0x3FFB];
	_ =	sdelay $0x3  }
0x92: {  	_ =	strace s18  }
0x93: {  	s3 =	sld [smem:$0x3FFC];
	_ =	sdelay $0x3  }
0x94: {  	_ =	strace s3  }
0x95: {  	s3 =	sld [smem:$0x3FFD];
	_ =	sdelay $0x3  }
0x96: {  	_ =	strace s3  }
0x97: {  	_ =	strace $0x8FFFFFFF  }
0x98: {  	s19 =	sld [smem:$0x3FDB];
	_ =	sdelay $0x1  }
0x99: {  	s4 =	simm.s32 $_scs_section_size  }
0x9a: {  	s5 =	simm.s32 $_size__tile_overlayer_lowered;
	s6 =	simm.s32 $_tile_overlayer_lowered  }
0x9b: {  	s22 =	simm.s32 $0x1BFF;
	s21 =	sshll.u32 s6, $0x1;
	s3 =	sadd.s32 s4, s19  }
0x9c: {  	s7 =	simm.s32 $0x0;
	s20 =	sshll.u32 s5, $0x1;
	s5 =	sadd.s32 s21, s3  }
0x9d: {  	[timem:s7], [sflag:s22] =	dma.local [hbm:s5], s20  }
0x9e: {  	_ =	swait.ge [sflag:s22], s20  }
0x9f: {  	s4 =	ssub.s32 $0x0, s20;
	[sflag:s22] =	ssyncset.done $0x0  }
0xa0: {  	[sflag:s22] =	ssyncadd.s32 s4;
	_ =	sdelay $0x1  }
0xa1: {  	s23 =	simm.s32 $0x1B8B  }
0xa2: {  	_ =	swait.ge [sflag:s23], $0x1  }
0xa3: {  	[sflag:s23] =	ssyncset.done $0x0  }
0xa4: {  	s25 =	simm.s32 $0x1B8E;
	s24 =	sld [smem:$0x3FFE];
	[sflag:s23] =	ssyncadd.s32 $0xFFFFFFFF  }
0xa5: {  	s26 =	simm.s32 $execute0_lowered;
	[smem:$0x3FD2] =	sst s25  }
0xa6: {  	s5 =	sshll.u32 s26, $0x1;
	_ =	strace $0x80000049;
	[dreg:$0x1] =	wrdreg $0xFFFFFFFF  }
0xa7: {  	s28 =	simm.s32 $_size_execute0_lowered;
	s3 =	sadd.s32 s3, s5;
	[dreg:$0x0] =	wrdreg $0x0  }
0xa8: {  	s5 =	sshll.u32 s28, $0x1;
	[dreg:$0x2] =	wrdreg s3  }
0xa9: {  	[dreg:$0x3] =	wrdreg s5  }
0xaa: {  	[dreg:$0x4] =	wrdreg $0xC0  }
0xab: {  	_ =	task [dreg:s7], $0x5FFFF  }
0xac: {  	[dreg:$0x1] =	wrdreg $0xFFFFFFFF  }
0xad: {  	[dreg:$0x0] =	wrdreg $0x60  }
0xae: {  	[dreg:$0x2] =	wrdreg s24  }
0xaf: {  	[dreg:$0x3] =	wrdreg s2  }
0xb0: {  	[dreg:$0x4] =	wrdreg $0x9  }
0xb1: {  	_ =	task.clear_ibuf [dreg:s7], $0x5FFFF;
	_ =	strace $0x90000049  }
0xb2: {  	s29 =	simm.s32 $0x9;
	_ =	strace $0x8000004B  }
0xb3: {  	_ =	swait.ge [sflag:s29], $0x1  }
0xb4: {  	[sflag:s29] =	ssyncadd.s32 $0xFFFFFFFF  }
0xb5: {  	_ =	strace $0x9000004B  }
0xb6: {  	_ =	sfence  }
0xb7: {  	s30 =	sld [smem:$0x0];
	_ =	sdelay $0x2  }
0xb8: {  	s31 =	sshll.u32 s1, $0xD;
	s1 =	sshrl.u32 s1, $0x2  }
0xb9: {  	s3 =	sand.u32 $0x4000, s31;
	s1 =	sadd.s32 s1, s30  }
0xba: {  	s0 =	sor.u32 s3, s0;
	s1 =	sshll.u32 s1, $0x11  }
0xbb: {  	s0 =	sor.u32 s1, s0  }
0xbc: {  	s0 =	sadd.s32 $0x8F2B, s0  }
0xbd: {  	[sflag:s0] =	ssyncadd.remote.s32 $0x1  }
0xbe: {  	_ =	sfence.sel $0xFFFF  }
0xbf: {  	[dreg:$0x0] =	wrdreg $0xFFFFFFFF;
	(pc) =	sbr.abs _section_cstart, $3  }
0xc0: {  	[dreg:$0x1] =	wrdreg $0xFFFFFFFF  }
0xc1: {  	_ =	task.clear_ibuf [dreg:s7], $0x2FFFF;
	_ =	strace $0x9FFFFFFF  }
0xc2: {  	(tm) =	ssettm $0x7FFFFFFF  }
0xc3: {  	_ =	shalt  }
tec
execute0_lowered:
.L_overlay_start_1:
0x0: {  	(tag) =	ssettag $0x1  }
0x1: {  	s0 =	rddreg [dreg:$0x0]  }
0x2: {  	s5 =	rddreg [dreg:$0x1]  }
0x3: {  	s2 =	srdreg.scid;
	s1 =	stileid.u32;
	s26 =	simm.s32 $0x880  }
0x4: {  	s9 =	simm.s32 $0x1080;
	s10 =	simm.s32 $0x1880;
	s11 =	simm.s32 $0x2080  }
0x5: {  	s12 =	simm.s32 $0x2880;
	s13 =	simm.s32 $0x3080;
	s14 =	simm.s32 $0x3880  }
0x6: {  	s15 =	simm.s32 $0x4080;
	s16 =	simm.s32 $0x4880;
	s17 =	simm.s32 $0x5080  }
0x7: {  	s18 =	simm.s32 $0x5880;
	s19 =	simm.s32 $0x6080;
	s20 =	simm.s32 $0x6880  }
0x8: {  	s21 =	simm.s32 $0x7080;
	s22 =	simm.s32 $0x7880;
	s23 =	simm.s32 $0x8080  }
0x9: {  	s28 =	simm.s32 $0xA080;
	s29 =	simm.s32 $0xA880;
	s30 =	simm.s32 $0xB080  }
0xa: {  	s31 =	simm.s32 $0xB880;
	s3 =	sand.u32 $0x1, s2;
	s2 =	simm.s32 $0x0  }
0xb: {  	s4 =	sshll.u32 s1, $0x4;
	s6 =	sshll.u32 s3, $0x3;
	[smem:$0x7FF] =	sst s2  }
0xc: {  	s7 =	ssub.s32 $0x2, s3;
	s3 =	sadd.s32 $0x200, s0;
	s4 =	sor.u32 s6, s4  }
0xd: {  	_ =	strace $0x8000004A;
	s24 =	sshrl.u32 s7, $0x1;
	[dreg:$0x5] =	wrdreg s26  }
0xe: {  	s26 =	simm.s32 $0x9880;
	s8 =	smul.u32 $0x300, s4;
	s6 =	ssub.s32 s7, s24  }
0xf: {  	s4 =	sadd.s32 s0, s4;
	s7 =	simm.s32 $0x2;
	s24 =	simm.s32 $0x8880  }
0x10: {  	v2 =	vlaneseq.u32;
	[dreg:$0x3] =	wrdreg s4;
	s4 =	sadd.s32 $0x300, s0;
	s6 =	smax.u32 s6, $0x1  }
0x11: {  	vm0 =	vmmov $0xffff;
	v1 =	vshrl.u32 v2, $0x3;
	s25 =	sadd.s32 s5, s8;
	s5 =	sadd.s32 $0x400, s0;
	s8 =	simm.s32 $0x80  }
0x12: {  	v0 =	vand.u32 $0x7, v2;
	v2 =	vor.u32 $0x8, v2;
	v1 =	vmul.u32 $0x8, v1;
	s0 =	simm.s32 $0x1;
	[dreg:$0x4] =	wrdreg s25;
	s25 =	simm.s32 $0x9080  }
.LBB2_1:
0x13: {  	s1 =	rddreg [dreg:$0x3]  }
0x14: {  	[tilespmem:s2], [sflag:$0x2] =	stream.linear.gather [hbm4b:s1+s2], $0x40, $0x38;
	[tilespmem:$0xC080] =	vst v63  }
0x15: {  	_ =	swait.ge [sflag:s7], $0x40  }
0x16: {  	[sflag:s7] =	ssyncset.done $0x0  }
0x17: {  	[sflag:s7] =	ssyncadd.s32 $0xFFFFFFC0  }
0x18: {  	v3 =	vld [tilespmem:$0x0];
	_ =	sdelay $0x4  }
0x19: {  	v4 =	vshrl.u32 v3, $0x3  }
0x1a: {  	v4 =	vmul.u32 $0x30, v4  }
0x1b: {  	v3 =	vand.u32 $0x7, v3  }
0x1c: {  	v3 =	vor.u32 v3, v4  }
0x1d: {  	v4 =	vperm.xlane v3, v0;
	_ =	sdelay $0x1  }
0x1e: {  	v4 =	vadd.s32 v1, v4;
	_ =	sdelay $0x3  }
0x1f: {  	v3 =	vperm.xlane v3, v2  }
0x20: {  	[tilespmem:s8], [sflag:$0x1] =	stream.indirect_vreg.gather [hbm4b:s3+s2], $0x80, v4, vm0, $0xb8;
	[tilespmem:$0xC080] =	vst v63  }
0x21: {  	s1 =	rddreg [dreg:$0x5];
	v3 =	vadd.s32 v1, v3  }
0x22: {  	[tilespmem:s1], [sflag:$0x1] =	stream.indirect_vreg.gather [hbm4b:s4+s2], $0x80, v4, vm0, $0xb8;
	[tilespmem:$0xC080] =	vst v63  }
0x23: {  	_ = 	snop  }
0x24: {  	[tilespmem:s9], [sflag:$0x1] =	stream.indirect_vreg.gather [hbm4b:s5+s2], $0x80, v4, vm0, $0xb8;
	[tilespmem:$0xC080] =	vst v63  }
0x25: {  	_ = 	snop  }
0x26: {  	[tilespmem:s10], [sflag:$0x1] =	stream.indirect_vreg.gather [hbm4b:s3+s2], $0x80, v3, vm0, $0xb8;
	[tilespmem:$0xC080] =	vst v63  }
0x27: {  	_ = 	snop  }
0x28: {  	[tilespmem:s11], [sflag:$0x1] =	stream.indirect_vreg.gather [hbm4b:s4+s2], $0x80, v3, vm0, $0xb8;
	[tilespmem:$0xC080] =	vst v63  }
0x29: {  	_ = 	snop  }
0x2a: {  	[tilespmem:s12], [sflag:$0x1] =	stream.indirect_vreg.gather [hbm4b:s5+s2], $0x80, v3, vm0, $0xb8;
	[tilespmem:$0xC080] =	vst v63  }
0x2b: {  	v3 =	vld [tilespmem:$0x10];
	_ =	sdelay $0x4  }
0x2c: {  	v61 =	vshrl.u32 v3, $0x3  }
0x2d: {  	v4 =	vmul.u32 $0x30, v61  }
0x2e: {  	v3 =	vand.u32 $0x7, v3  }
0x2f: {  	v3 =	vor.u32 v3, v4  }
0x30: {  	v4 =	vperm.xlane v3, v0;
	_ =	sdelay $0x1  }
0x31: {  	v4 =	vadd.s32 v1, v4;
	_ =	sdelay $0x3  }
0x32: {  	v3 =	vperm.xlane v3, v2  }
0x33: {  	[tilespmem:s13], [sflag:$0x1] =	stream.indirect_vreg.gather [hbm4b:s3+s2], $0x80, v4, vm0, $0xb8;
	[tilespmem:$0xC080] =	vst v63  }
0x34: {  	v3 =	vadd.s32 v1, v3  }
0x35: {  	[tilespmem:s14], [sflag:$0x1] =	stream.indirect_vreg.gather [hbm4b:s4+s2], $0x80, v4, vm0, $0xb8;
	[tilespmem:$0xC080] =	vst v63  }
0x36: {  	_ = 	snop  }
0x37: {  	[tilespmem:s15], [sflag:$0x1] =	stream.indirect_vreg.gather [hbm4b:s5+s2], $0x80, v4, vm0, $0xb8;
	[tilespmem:$0xC080] =	vst v63  }
0x38: {  	_ = 	snop  }
0x39: {  	[tilespmem:s16], [sflag:$0x1] =	stream.indirect_vreg.gather [hbm4b:s3+s2], $0x80, v3, vm0, $0xb8;
	[tilespmem:$0xC080] =	vst v63  }
0x3a: {  	_ = 	snop  }
0x3b: {  	[tilespmem:s17], [sflag:$0x1] =	stream.indirect_vreg.gather [hbm4b:s4+s2], $0x80, v3, vm0, $0xb8;
	[tilespmem:$0xC080] =	vst v63  }
0x3c: {  	_ = 	snop  }
0x3d: {  	[tilespmem:s18], [sflag:$0x1] =	stream.indirect_vreg.gather [hbm4b:s5+s2], $0x80, v3, vm0, $0xb8;
	[tilespmem:$0xC080] =	vst v63  }
0x3e: {  	v3 =	vld [tilespmem:$0x20];
	_ =	sdelay $0x4  }
0x3f: {  	v62 =	vshrl.u32 v3, $0x3  }
0x40: {  	v4 =	vmul.u32 $0x30, v62  }
0x41: {  	v3 =	vand.u32 $0x7, v3  }
0x42: {  	v3 =	vor.u32 v3, v4  }
0x43: {  	v4 =	vperm.xlane v3, v0;
	_ =	sdelay $0x1  }
0x44: {  	v4 =	vadd.s32 v1, v4;
	_ =	sdelay $0x3  }
0x45: {  	v3 =	vperm.xlane v3, v2  }
0x46: {  	[tilespmem:s19], [sflag:$0x1] =	stream.indirect_vreg.gather [hbm4b:s3+s2], $0x80, v4, vm0, $0xb8;
	[tilespmem:$0xC080] =	vst v63  }
0x47: {  	v3 =	vadd.s32 v1, v3  }
0x48: {  	[tilespmem:s20], [sflag:$0x1] =	stream.indirect_vreg.gather [hbm4b:s4+s2], $0x80, v4, vm0, $0xb8;
	[tilespmem:$0xC080] =	vst v63  }
0x49: {  	_ = 	snop  }
0x4a: {  	[tilespmem:s21], [sflag:$0x1] =	stream.indirect_vreg.gather [hbm4b:s5+s2], $0x80, v4, vm0, $0xb8;
	[tilespmem:$0xC080] =	vst v63  }
0x4b: {  	_ = 	snop  }
0x4c: {  	[tilespmem:s22], [sflag:$0x1] =	stream.indirect_vreg.gather [hbm4b:s3+s2], $0x80, v3, vm0, $0xb8;
	[tilespmem:$0xC080] =	vst v63  }
0x4d: {  	_ = 	snop  }
0x4e: {  	[tilespmem:s23], [sflag:$0x1] =	stream.indirect_vreg.gather [hbm4b:s4+s2], $0x80, v3, vm0, $0xb8;
	[tilespmem:$0xC080] =	vst v63  }
0x4f: {  	_ = 	snop  }
0x50: {  	[tilespmem:s24], [sflag:$0x1] =	stream.indirect_vreg.gather [hbm4b:s5+s2], $0x80, v3, vm0, $0xb8;
	[tilespmem:$0xC080] =	vst v63  }
0x51: {  	v3 =	vld [tilespmem:$0x30];
	_ =	sdelay $0x4  }
0x52: {  	v63 =	vshrl.u32 v3, $0x3  }
0x53: {  	v4 =	vmul.u32 $0x30, v63  }
0x54: {  	v3 =	vand.u32 $0x7, v3  }
0x55: {  	v3 =	vor.u32 v3, v4  }
0x56: {  	v4 =	vperm.xlane v3, v0;
	_ =	sdelay $0x1  }
0x57: {  	v4 =	vadd.s32 v1, v4;
	_ =	sdelay $0x3  }
0x58: {  	v3 =	vperm.xlane v3, v2  }
0x59: {  	[tilespmem:s25], [sflag:$0x1] =	stream.indirect_vreg.gather [hbm4b:s3+s2], $0x80, v4, vm0, $0xb8;
	[tilespmem:$0xC080] =	vst v63  }
0x5a: {  	v3 =	vadd.s32 v1, v3  }
0x5b: {  	[tilespmem:s26], [sflag:$0x1] =	stream.indirect_vreg.gather [hbm4b:s4+s2], $0x80, v4, vm0, $0xb8;
	[tilespmem:$0xC080] =	vst v63  }
0x5c: {  	_ = 	snop  }
0x5d: {  	[tilespmem:s28], [sflag:$0x1] =	stream.indirect_vreg.gather [hbm4b:s5+s2], $0x80, v4, vm0, $0xb8;
	[tilespmem:$0xC080] =	vst v63  }
0x5e: {  	_ = 	snop  }
0x5f: {  	[tilespmem:s29], [sflag:$0x1] =	stream.indirect_vreg.gather [hbm4b:s3+s2], $0x80, v3, vm0, $0xb8;
	[tilespmem:$0xC080] =	vst v63  }
0x60: {  	_ = 	snop  }
0x61: {  	[tilespmem:s30], [sflag:$0x1] =	stream.indirect_vreg.gather [hbm4b:s4+s2], $0x80, v3, vm0, $0xb8;
	[tilespmem:$0xC080] =	vst v63  }
0x62: {  	_ = 	snop  }
0x63: {  	[tilespmem:s31], [sflag:$0x1] =	stream.indirect_vreg.gather [hbm4b:s5+s2], $0x80, v3, vm0, $0xb8;
	[tilespmem:$0xC080] =	vst v63  }
0x64: {  	_ =	swait.ge [sflag:s0], $0xC000  }
0x65: {  	p0 =	sne.s32 s6, $0x1;
	[sflag:s0] =	ssyncset.done $0x0  }
.Ltmp0:
0x66: {  	s1 =	rddreg [dreg:$0x4];
	[sflag:s0] =	ssyncadd.s32 $0xFFFF4000;
	(pc) =	sbr.rel @p0 .LBB2_1-.Ltmp0, $4  }
0x67: {  	[hbm4b:s1+s2] =	stream.linear.scatter [tilespmem:s8], [sflag:$0x2], $0xC000, $0x38;
	[tilespmem:$0xC080] =	vst v63  }
0x68: {  	_ =	swait.ge [sflag:s7], $0xC000  }
0x69: {  	[sflag:s7] =	ssyncset.done $0x0  }
0x6a: {  	s6 =	sadd.s32 $0xFFFFFFFF, s6;
	[sflag:s7] =	ssyncadd.s32 $0xFFFF4000  }
0x6b: {  	_ =	sfence.sel $0x180000  }
0x6c: {  	[bflag:$0x0] =	sbarrier.arrive $0xFFFF  }
0x6d: {  	_ =	strace $0x9000004A  }
0x6e: {  	s0 =	stileid.u32;
	[bflag:$0x2] =	sbarrier.arrive $0xFFFF  }
0x6f: {  	p0 =	sne.s32 s0, $0x0;
	s0 =	rddreg [dreg:$0x2]  }
0x70: {  	s0 =	sadd.s32 @!p0 $0x100000, s0  }
0x71: {  	[sflag:s0] =	ssyncadd.tile.s32 @!p0 $0x1;
	_ =	shalt  }
.Lfunc_end2:
_tile_overlayer_lowered:
.L_overlay_start_2:
0x72: {  	(tag) =	ssettag $0x2  }
0x73: {  	s0 =	rddreg [dreg:$0x0];
	s2 =	stileid.u32  }
0x74: {  	s1 =	rddreg [dreg:$0x1];
	p0 =	sne.s32 s2, $0x0  }
0x75: {  	s3 =	rddreg [dreg:$0x2];
	[bflag:$0x3] =	sbarrier.arrive $0xFFFF;
	s2 =	simm.s32 @!p0 $0x1C02  }
0x76: {  	[timem:s3], [sflag:s2] =	dma.local @!p0 [hbm:s0], s1  }
0x77: {  	s0 =	simm.s32 @!p0 $0x2  }
0x78: {  	_ =	swait.ge @!p0 [sflag:s0], s1  }
0x79: {  	s1 =	ssub.s32 @!p0 $0x0, s1;
	[sflag:s0] =	ssyncset.done @!p0 $0x0  }
0x7a: {  	[sflag:s0] =	ssyncadd.s32 @!p0 s1  }
0x7b: {  	[bflag:$0x3] =	sbarrier.arrive $0xFFFF  }
0x7c: {  	_ =	shalt  }

</sc_bundles>
